<compile_context>
chip_gen: v7x
topology: tpu7x:2x2x1
jax: 0.10.2.dev20260603
libtpu: 0.0.44.dev20260713+nightly
codegen_flags: <defaults>
</compile_context>

<pallas_src>
import jax
import jax.numpy as jnp
from jax import lax
from jax.experimental import pallas as pl
from jax.experimental.pallas import tpu as pltpu
from jax.experimental.pallas import tpu_sc as plsc
from jax._src.pallas import mpmd

BATCH = 4
SEQ = 4096
DIM = 1024

_NUM_CORES = 2
_NUM_SUBCORES = 16
_NW = _NUM_CORES * _NUM_SUBCORES

_TEC_ROWS = 3072
_SCS_ROWS = SEQ - _TEC_ROWS

_T_CHUNK = 96
_T_PER_W = _TEC_ROWS // _NW
_T_NCHUNK = _T_PER_W // _T_CHUNK
_T_NBUF = 1

_S_CHUNK = 512
_S_PER_C = _SCS_ROWS // _NUM_CORES
_S_NCHUNK = _S_PER_C // _S_CHUNK
_S_NBUF = 1


def _pipeline(table_hbm, out_hbm, bufs, gsems, ssems, base, chunk, nchunk, nbuf):

    def gather(i):
        k = i % nbuf
        return pltpu.async_copy(
            table_hbm.at[pl.ds(base + i * chunk, chunk)], bufs[k], gsems[k]
        )

    def stores(i):
        k = i % nbuf
        return [
            pltpu.async_copy(
                bufs[k], out_hbm.at[b, pl.ds(base + i * chunk, chunk)], ssems[k]
            )
            for b in range(BATCH)
        ]

    g = {}
    st = {}
    waited = set()
    for i in range(min(nbuf, nchunk)):
        g[i] = gather(i)
    for i in range(nchunk):
        g[i].wait()
        st[i] = stores(i)
        j = i + nbuf
        if j < nchunk:
            for h in st[i]:
                h.wait()
            waited.add(i)
            g[j] = gather(j)
    for i in range(nchunk):
        if i not in waited:
            for h in st[i]:
                h.wait()


def _run(table):
    scalar_mesh = plsc.ScalarSubcoreMesh(axis_name="c", num_cores=_NUM_CORES)
    vector_mesh = plsc.VectorSubcoreMesh(
        core_axis_name="c", subcore_axis_name="s", num_cores=_NUM_CORES
    )

    vmem = pltpu.MemorySpace.VMEM @ vector_mesh
    spmem = pltpu.MemorySpace.VMEM_SHARED
    tec_sem = pltpu.SemaphoreType.DMA @ vector_mesh
    scs_sem = pltpu.SemaphoreType.DMA @ scalar_mesh

    scratch = (
        [vmem((_T_CHUNK, DIM), jnp.float32) for _ in range(_T_NBUF)]
        + [tec_sem for _ in range(2 * _T_NBUF)]
        + [spmem((_S_CHUNK, DIM), jnp.float32) for _ in range(_S_NBUF)]
        + [scs_sem for _ in range(2 * _S_NBUF)]
    )
    _N_T = 3 * _T_NBUF

    def tec_fn(table_hbm, out_hbm, *refs):
        bufs = refs[:_T_NBUF]
        gsems = refs[_T_NBUF : 2 * _T_NBUF]
        ssems = refs[2 * _T_NBUF : 3 * _T_NBUF]
        wid = lax.axis_index("s") * _NUM_CORES + lax.axis_index("c")
        base = wid * _T_PER_W
        _pipeline(
            table_hbm, out_hbm, bufs, gsems, ssems, base, _T_CHUNK, _T_NCHUNK, _T_NBUF
        )

    def scs_fn(table_hbm, out_hbm, *refs):
        bufs = refs[_N_T : _N_T + _S_NBUF]
        gsems = refs[_N_T + _S_NBUF : _N_T + 2 * _S_NBUF]
        ssems = refs[_N_T + 2 * _S_NBUF : _N_T + 3 * _S_NBUF]
        cid = lax.axis_index("c")
        base = _TEC_ROWS + cid * _S_PER_C
        _pipeline(
            table_hbm, out_hbm, bufs, gsems, ssems, base, _S_CHUNK, _S_NCHUNK, _S_NBUF
        )

    run = mpmd.mpmd_map(
        [(scalar_mesh, scs_fn), (vector_mesh, tec_fn)],
        out_types=jax.ShapeDtypeStruct((BATCH, SEQ, DIM), jnp.float32),
        scratch_types=scratch,
    )
    return run(table)


def kernel(x, table):
    del x
    return _run(table)

# --- scband reference (transcript-rebuilt; emitter-appended) ---
"""Pipeline reference for scband-positional-embedding-10642928959714 (READ-ONLY COPY).

The authoritative reference and input builder live on the scoring server;
editing this copy changes nothing except your own understanding.
"""

import jax, jax.numpy as jnp
import numpy as np

MAX_SEQ_LENGTH = 8192
DIM_MODEL = 1024


def setup_inputs(seed: int = 0) -> dict:
    key = jax.random.key(seed)
    k1, k2 = jax.random.split(key)
    x = jax.random.randint(k1, (4, 4096), 0, 8192, dtype=jnp.int64 if jax.config.jax_enable_x64 else jnp.int32)
    table = jax.random.normal(k2, (MAX_SEQ_LENGTH, DIM_MODEL), dtype=jnp.float32)
    return {"x": x, "table": table}


def reference(x, table):
    batch_size, seq_len = x.shape
    positions = jnp.arange(0, seq_len)
    positions = jnp.broadcast_to(positions[None, :], (batch_size, seq_len))
    out = jnp.take(table, positions, axis=0)
    return out

if __name__ == "__main__":
    import jax
    _d = setup_inputs()
    print(jax.jit(kernel)(*tuple(_d.values())))

</pallas_src>

<mosaic_0001>
#map = affine_map<(d0) -> (0, 0)>
#map1 = affine_map<(d0) -> (0, 0, 0)>
#map2 = affine_map<(d0, d1) -> (0, 0)>
#map3 = affine_map<(d0, d1) -> (0, 0, 0)>
module attributes {stable_mosaic.version = 14 : i64} {
  func.func @scs_fn(%arg0: i32, %arg1: memref<8192x1024xf32, #tpu.memory_space<hbm>>, %arg2: memref<4x4096x1024xf32, #tpu.memory_space<hbm>>, %arg3: memref<96x1024xf32, #tpu.memory_space<vmem, sc_vector_subcore>>, %arg4: memref<!tpu.dma_semaphore, #tpu.memory_space<semaphore_mem, sc_vector_subcore>>, %arg5: memref<!tpu.dma_semaphore, #tpu.memory_space<semaphore_mem, sc_vector_subcore>>, %arg6: memref<512x1024xf32, #tpu.memory_space<vmem_shared>>, %arg7: memref<!tpu.dma_semaphore, #tpu.memory_space<semaphore_mem>>, %arg8: memref<!tpu.dma_semaphore, #tpu.memory_space<semaphore_mem>>) attributes {dimension_semantics = [#tpu.dimension_semantics<core_parallel>], iteration_bounds = array<i64: 2>, scalar_prefetch = 0 : i64, scratch_operands = 6 : i64, tpu.core_type = #tpu.core_type<sc_scalar_subcore>, window_params = [{transform_indices = #map}, {transform_indices = #map1}]} {
    %mul3A = arith.constant 512 : i32
    %mul3A_0 = arith.muli %arg0, %mul3A : i32
    %add3A = arith.constant 3072 : i32
    %add3A_1 = arith.addi %add3A, %mul3A_0 : i32
    %add3A_2 = arith.constant 0 : i32
    %add3A_3 = arith.addi %add3A_1, %add3A_2 : i32
    %dma_start3A = arith.constant 0 : i32
    %dma_start3A_4 = tpu.memref_slice %arg1[%add3A_3, %dma_start3A] : memref<8192x1024xf32, #tpu.memory_space<hbm>> -> memref<512x1024xf32, #tpu.memory_space<hbm>>
    tpu.enqueue_dma source(%dma_start3A_4 : memref<512x1024xf32, #tpu.memory_space<hbm>>) target(%arg6 : memref<512x1024xf32, #tpu.memory_space<vmem_shared>>) target_semaphore(%arg7 : memref<!tpu.dma_semaphore, #tpu.memory_space<semaphore_mem>>)
    %dma_wait3A = arith.constant 0 : i32
    %dma_wait3A_5 = tpu.memref_slice %arg1[%add3A_3, %dma_wait3A] : memref<8192x1024xf32, #tpu.memory_space<hbm>> -> memref<512x1024xf32, #tpu.memory_space<hbm>>
    tpu.wait_dma2 semaphore(%arg7 : memref<!tpu.dma_semaphore, #tpu.memory_space<semaphore_mem>>) src(%dma_wait3A_5 : memref<512x1024xf32, #tpu.memory_space<hbm>>) dst(%arg6 : memref<512x1024xf32, #tpu.memory_space<vmem_shared>>)
    %add3A_6 = arith.constant 0 : i32
    %add3A_7 = arith.addi %add3A_1, %add3A_6 : i32
    %dma_start3A_8 = arith.constant 0 : i32
    %dma_start3A_9 = arith.constant 0 : i32
    %dma_start3A_10 = tpu.memref_slice %arg2[%dma_start3A_8, %add3A_7, %dma_start3A_9] : memref<4x4096x1024xf32, #tpu.memory_space<hbm>> -> memref<1x512x1024xf32, #tpu.memory_space<hbm>>
    %dma_start3A_11 = tpu.memref_squeeze %dma_start3A_10 : memref<1x512x1024xf32, #tpu.memory_space<hbm>> -> memref<512x1024xf32, #tpu.memory_space<hbm>>
    tpu.enqueue_dma source(%arg6 : memref<512x1024xf32, #tpu.memory_space<vmem_shared>>) target(%dma_start3A_11 : memref<512x1024xf32, #tpu.memory_space<hbm>>) target_semaphore(%arg8 : memref<!tpu.dma_semaphore, #tpu.memory_space<semaphore_mem>>)
    %add3A_12 = arith.constant 0 : i32
    %add3A_13 = arith.addi %add3A_1, %add3A_12 : i32
    %dma_start3A_14 = arith.constant 1 : i32
    %dma_start3A_15 = arith.constant 0 : i32
    %dma_start3A_16 = tpu.memref_slice %arg2[%dma_start3A_14, %add3A_13, %dma_start3A_15] : memref<4x4096x1024xf32, #tpu.memory_space<hbm>> -> memref<1x512x1024xf32, #tpu.memory_space<hbm>>
    %dma_start3A_17 = tpu.memref_squeeze %dma_start3A_16 : memref<1x512x1024xf32, #tpu.memory_space<hbm>> -> memref<512x1024xf32, #tpu.memory_space<hbm>>
    tpu.enqueue_dma source(%arg6 : memref<512x1024xf32, #tpu.memory_space<vmem_shared>>) target(%dma_start3A_17 : memref<512x1024xf32, #tpu.memory_space<hbm>>) target_semaphore(%arg8 : memref<!tpu.dma_semaphore, #tpu.memory_space<semaphore_mem>>)
    %add3A_18 = arith.constant 0 : i32
    %add3A_19 = arith.addi %add3A_1, %add3A_18 : i32
    %dma_start3A_20 = arith.constant 2 : i32
    %dma_start3A_21 = arith.constant 0 : i32
    %dma_start3A_22 = tpu.memref_slice %arg2[%dma_start3A_20, %add3A_19, %dma_start3A_21] : memref<4x4096x1024xf32, #tpu.memory_space<hbm>> -> memref<1x512x1024xf32, #tpu.memory_space<hbm>>
    %dma_start3A_23 = tpu.memref_squeeze %dma_start3A_22 : memref<1x512x1024xf32, #tpu.memory_space<hbm>> -> memref<512x1024xf32, #tpu.memory_space<hbm>>
    tpu.enqueue_dma source(%arg6 : memref<512x1024xf32, #tpu.memory_space<vmem_shared>>) target(%dma_start3A_23 : memref<512x1024xf32, #tpu.memory_space<hbm>>) target_semaphore(%arg8 : memref<!tpu.dma_semaphore, #tpu.memory_space<semaphore_mem>>)
    %add3A_24 = arith.constant 0 : i32
    %add3A_25 = arith.addi %add3A_1, %add3A_24 : i32
    %dma_start3A_26 = arith.constant 3 : i32
    %dma_start3A_27 = arith.constant 0 : i32
    %dma_start3A_28 = tpu.memref_slice %arg2[%dma_start3A_26, %add3A_25, %dma_start3A_27] : memref<4x4096x1024xf32, #tpu.memory_space<hbm>> -> memref<1x512x1024xf32, #tpu.memory_space<hbm>>
    %dma_start3A_29 = tpu.memref_squeeze %dma_start3A_28 : memref<1x512x1024xf32, #tpu.memory_space<hbm>> -> memref<512x1024xf32, #tpu.memory_space<hbm>>
    tpu.enqueue_dma source(%arg6 : memref<512x1024xf32, #tpu.memory_space<vmem_shared>>) target(%dma_start3A_29 : memref<512x1024xf32, #tpu.memory_space<hbm>>) target_semaphore(%arg8 : memref<!tpu.dma_semaphore, #tpu.memory_space<semaphore_mem>>)
    %dma_wait3A_30 = arith.constant 0 : i32
    %dma_wait3A_31 = arith.constant 0 : i32
    %dma_wait3A_32 = tpu.memref_slice %arg2[%dma_wait3A_30, %add3A_7, %dma_wait3A_31] : memref<4x4096x1024xf32, #tpu.memory_space<hbm>> -> memref<1x512x1024xf32, #tpu.memory_space<hbm>>
    %dma_wait3A_33 = tpu.memref_squeeze %dma_wait3A_32 : memref<1x512x1024xf32, #tpu.memory_space<hbm>> -> memref<512x1024xf32, #tpu.memory_space<hbm>>
    tpu.wait_dma2 semaphore(%arg8 : memref<!tpu.dma_semaphore, #tpu.memory_space<semaphore_mem>>) src(%arg6 : memref<512x1024xf32, #tpu.memory_space<vmem_shared>>) dst(%dma_wait3A_33 : memref<512x1024xf32, #tpu.memory_space<hbm>>)
    %dma_wait3A_34 = arith.constant 1 : i32
    %dma_wait3A_35 = arith.constant 0 : i32
    %dma_wait3A_36 = tpu.memref_slice %arg2[%dma_wait3A_34, %add3A_13, %dma_wait3A_35] : memref<4x4096x1024xf32, #tpu.memory_space<hbm>> -> memref<1x512x1024xf32, #tpu.memory_space<hbm>>
    %dma_wait3A_37 = tpu.memref_squeeze %dma_wait3A_36 : memref<1x512x1024xf32, #tpu.memory_space<hbm>> -> memref<512x1024xf32, #tpu.memory_space<hbm>>
    tpu.wait_dma2 semaphore(%arg8 : memref<!tpu.dma_semaphore, #tpu.memory_space<semaphore_mem>>) src(%arg6 : memref<512x1024xf32, #tpu.memory_space<vmem_shared>>) dst(%dma_wait3A_37 : memref<512x1024xf32, #tpu.memory_space<hbm>>)
    %dma_wait3A_38 = arith.constant 2 : i32
    %dma_wait3A_39 = arith.constant 0 : i32
    %dma_wait3A_40 = tpu.memref_slice %arg2[%dma_wait3A_38, %add3A_19, %dma_wait3A_39] : memref<4x4096x1024xf32, #tpu.memory_space<hbm>> -> memref<1x512x1024xf32, #tpu.memory_space<hbm>>
    %dma_wait3A_41 = tpu.memref_squeeze %dma_wait3A_40 : memref<1x512x1024xf32, #tpu.memory_space<hbm>> -> memref<512x1024xf32, #tpu.memory_space<hbm>>
    tpu.wait_dma2 semaphore(%arg8 : memref<!tpu.dma_semaphore, #tpu.memory_space<semaphore_mem>>) src(%arg6 : memref<512x1024xf32, #tpu.memory_space<vmem_shared>>) dst(%dma_wait3A_41 : memref<512x1024xf32, #tpu.memory_space<hbm>>)
    %dma_wait3A_42 = arith.constant 3 : i32
    %dma_wait3A_43 = arith.constant 0 : i32
    %dma_wait3A_44 = tpu.memref_slice %arg2[%dma_wait3A_42, %add3A_25, %dma_wait3A_43] : memref<4x4096x1024xf32, #tpu.memory_space<hbm>> -> memref<1x512x1024xf32, #tpu.memory_space<hbm>>
    %dma_wait3A_45 = tpu.memref_squeeze %dma_wait3A_44 : memref<1x512x1024xf32, #tpu.memory_space<hbm>> -> memref<512x1024xf32, #tpu.memory_space<hbm>>
    tpu.wait_dma2 semaphore(%arg8 : memref<!tpu.dma_semaphore, #tpu.memory_space<semaphore_mem>>) src(%arg6 : memref<512x1024xf32, #tpu.memory_space<vmem_shared>>) dst(%dma_wait3A_45 : memref<512x1024xf32, #tpu.memory_space<hbm>>)
    return
  }
  func.func @tec_fn(%arg0: i32, %arg1: i32, %arg2: memref<8192x1024xf32, #tpu.memory_space<hbm>>, %arg3: memref<4x4096x1024xf32, #tpu.memory_space<hbm>>, %arg4: memref<96x1024xf32, #tpu.memory_space<vmem>>, %arg5: memref<!tpu.dma_semaphore, #tpu.memory_space<semaphore_mem>>, %arg6: memref<!tpu.dma_semaphore, #tpu.memory_space<semaphore_mem>>, %arg7: memref<512x1024xf32, #tpu.memory_space<vmem_shared>>, %arg8: memref<!tpu.dma_semaphore, #tpu.memory_space<semaphore_mem, sc_scalar_subcore>>, %arg9: memref<!tpu.dma_semaphore, #tpu.memory_space<semaphore_mem, sc_scalar_subcore>>) attributes {dimension_semantics = [#tpu.dimension_semantics<core_parallel>, #tpu.dimension_semantics<subcore_parallel>], iteration_bounds = array<i64: 2, 16>, scalar_prefetch = 0 : i64, scratch_operands = 6 : i64, tpu.core_type = #tpu.core_type<sc_vector_subcore>, window_params = [{transform_indices = #map2}, {transform_indices = #map3}]} {
    %mul3A = arith.constant 2 : i32
    %mul3A_0 = arith.muli %arg1, %mul3A : i32
    %add3A = arith.addi %mul3A_0, %arg0 : i32
    %mul3A_1 = arith.constant 96 : i32
    %mul3A_2 = arith.muli %add3A, %mul3A_1 : i32
    %add3A_3 = arith.constant 0 : i32
    %add3A_4 = arith.addi %mul3A_2, %add3A_3 : i32
    %dma_start3A = arith.constant 0 : i32
    %dma_start3A_5 = tpu.memref_slice %arg2[%add3A_4, %dma_start3A] : memref<8192x1024xf32, #tpu.memory_space<hbm>> -> memref<96x1024xf32, #tpu.memory_space<hbm>>
    %dma_start3A_6 = arith.constant 0 : i32
    %dma_start3A_7 = tpu.memref_slice %arg2[%add3A_4, %dma_start3A_6] : memref<8192x1024xf32, #tpu.memory_space<hbm>> -> memref<96x1024xf32, #tpu.memory_space<hbm>>
    tpu.enqueue_dma source(%dma_start3A_7 : memref<96x1024xf32, #tpu.memory_space<hbm>>) target(%arg4 : memref<96x1024xf32, #tpu.memory_space<vmem>>) target_semaphore(%arg5 : memref<!tpu.dma_semaphore, #tpu.memory_space<semaphore_mem>>)
    %dma_wait3A = arith.constant 0 : i32
    %dma_wait3A_8 = tpu.memref_slice %arg2[%add3A_4, %dma_wait3A] : memref<8192x1024xf32, #tpu.memory_space<hbm>> -> memref<96x1024xf32, #tpu.memory_space<hbm>>
    %dma_wait3A_9 = arith.constant 0 : i32
    %dma_wait3A_10 = tpu.memref_slice %arg2[%add3A_4, %dma_wait3A_9] : memref<8192x1024xf32, #tpu.memory_space<hbm>> -> memref<96x1024xf32, #tpu.memory_space<hbm>>
    tpu.wait_dma2 semaphore(%arg5 : memref<!tpu.dma_semaphore, #tpu.memory_space<semaphore_mem>>) src(%dma_wait3A_10 : memref<96x1024xf32, #tpu.memory_space<hbm>>) dst(%arg4 : memref<96x1024xf32, #tpu.memory_space<vmem>>)
    %add3A_11 = arith.constant 0 : i32
    %add3A_12 = arith.addi %mul3A_2, %add3A_11 : i32
    %dma_start3A_13 = arith.constant 0 : i32
    %dma_start3A_14 = arith.constant 0 : i32
    %dma_start3A_15 = tpu.memref_slice %arg3[%dma_start3A_13, %add3A_12, %dma_start3A_14] : memref<4x4096x1024xf32, #tpu.memory_space<hbm>> -> memref<1x96x1024xf32, #tpu.memory_space<hbm>>
    %dma_start3A_16 = tpu.memref_squeeze %dma_start3A_15 : memref<1x96x1024xf32, #tpu.memory_space<hbm>> -> memref<96x1024xf32, #tpu.memory_space<hbm>>
    %dma_start3A_17 = arith.constant 0 : i32
    %dma_start3A_18 = tpu.memref_slice %arg3[%dma_start3A_13, %add3A_12, %dma_start3A_17] : memref<4x4096x1024xf32, #tpu.memory_space<hbm>> -> memref<1x96x1024xf32, #tpu.memory_space<hbm>>
    %dma_start3A_19 = tpu.memref_squeeze %dma_start3A_18 : memref<1x96x1024xf32, #tpu.memory_space<hbm>> -> memref<96x1024xf32, #tpu.memory_space<hbm>>
    tpu.enqueue_dma source(%arg4 : memref<96x1024xf32, #tpu.memory_space<vmem>>) target(%dma_start3A_19 : memref<96x1024xf32, #tpu.memory_space<hbm>>) target_semaphore(%arg6 : memref<!tpu.dma_semaphore, #tpu.memory_space<semaphore_mem>>)
    %add3A_20 = arith.constant 0 : i32
    %add3A_21 = arith.addi %mul3A_2, %add3A_20 : i32
    %dma_start3A_22 = arith.constant 1 : i32
    %dma_start3A_23 = arith.constant 0 : i32
    %dma_start3A_24 = tpu.memref_slice %arg3[%dma_start3A_22, %add3A_21, %dma_start3A_23] : memref<4x4096x1024xf32, #tpu.memory_space<hbm>> -> memref<1x96x1024xf32, #tpu.memory_space<hbm>>
    %dma_start3A_25 = tpu.memref_squeeze %dma_start3A_24 : memref<1x96x1024xf32, #tpu.memory_space<hbm>> -> memref<96x1024xf32, #tpu.memory_space<hbm>>
    %dma_start3A_26 = arith.constant 0 : i32
    %dma_start3A_27 = tpu.memref_slice %arg3[%dma_start3A_22, %add3A_21, %dma_start3A_26] : memref<4x4096x1024xf32, #tpu.memory_space<hbm>> -> memref<1x96x1024xf32, #tpu.memory_space<hbm>>
    %dma_start3A_28 = tpu.memref_squeeze %dma_start3A_27 : memref<1x96x1024xf32, #tpu.memory_space<hbm>> -> memref<96x1024xf32, #tpu.memory_space<hbm>>
    tpu.enqueue_dma source(%arg4 : memref<96x1024xf32, #tpu.memory_space<vmem>>) target(%dma_start3A_28 : memref<96x1024xf32, #tpu.memory_space<hbm>>) target_semaphore(%arg6 : memref<!tpu.dma_semaphore, #tpu.memory_space<semaphore_mem>>)
    %add3A_29 = arith.constant 0 : i32
    %add3A_30 = arith.addi %mul3A_2, %add3A_29 : i32
    %dma_start3A_31 = arith.constant 2 : i32
    %dma_start3A_32 = arith.constant 0 : i32
    %dma_start3A_33 = tpu.memref_slice %arg3[%dma_start3A_31, %add3A_30, %dma_start3A_32] : memref<4x4096x1024xf32, #tpu.memory_space<hbm>> -> memref<1x96x1024xf32, #tpu.memory_space<hbm>>
    %dma_start3A_34 = tpu.memref_squeeze %dma_start3A_33 : memref<1x96x1024xf32, #tpu.memory_space<hbm>> -> memref<96x1024xf32, #tpu.memory_space<hbm>>
    %dma_start3A_35 = arith.constant 0 : i32
    %dma_start3A_36 = tpu.memref_slice %arg3[%dma_start3A_31, %add3A_30, %dma_start3A_35] : memref<4x4096x1024xf32, #tpu.memory_space<hbm>> -> memref<1x96x1024xf32, #tpu.memory_space<hbm>>
    %dma_start3A_37 = tpu.memref_squeeze %dma_start3A_36 : memref<1x96x1024xf32, #tpu.memory_space<hbm>> -> memref<96x1024xf32, #tpu.memory_space<hbm>>
    tpu.enqueue_dma source(%arg4 : memref<96x1024xf32, #tpu.memory_space<vmem>>) target(%dma_start3A_37 : memref<96x1024xf32, #tpu.memory_space<hbm>>) target_semaphore(%arg6 : memref<!tpu.dma_semaphore, #tpu.memory_space<semaphore_mem>>)
    %add3A_38 = arith.constant 0 : i32
    %add3A_39 = arith.addi %mul3A_2, %add3A_38 : i32
    %dma_start3A_40 = arith.constant 3 : i32
    %dma_start3A_41 = arith.constant 0 : i32
    %dma_start3A_42 = tpu.memref_slice %arg3[%dma_start3A_40, %add3A_39, %dma_start3A_41] : memref<4x4096x1024xf32, #tpu.memory_space<hbm>> -> memref<1x96x1024xf32, #tpu.memory_space<hbm>>
    %dma_start3A_43 = tpu.memref_squeeze %dma_start3A_42 : memref<1x96x1024xf32, #tpu.memory_space<hbm>> -> memref<96x1024xf32, #tpu.memory_space<hbm>>
    %dma_start3A_44 = arith.constant 0 : i32
    %dma_start3A_45 = tpu.memref_slice %arg3[%dma_start3A_40, %add3A_39, %dma_start3A_44] : memref<4x4096x1024xf32, #tpu.memory_space<hbm>> -> memref<1x96x1024xf32, #tpu.memory_space<hbm>>
    %dma_start3A_46 = tpu.memref_squeeze %dma_start3A_45 : memref<1x96x1024xf32, #tpu.memory_space<hbm>> -> memref<96x1024xf32, #tpu.memory_space<hbm>>
    tpu.enqueue_dma source(%arg4 : memref<96x1024xf32, #tpu.memory_space<vmem>>) target(%dma_start3A_46 : memref<96x1024xf32, #tpu.memory_space<hbm>>) target_semaphore(%arg6 : memref<!tpu.dma_semaphore, #tpu.memory_space<semaphore_mem>>)
    %dma_wait3A_47 = arith.constant 0 : i32
    %dma_wait3A_48 = arith.constant 0 : i32
    %dma_wait3A_49 = tpu.memref_slice %arg3[%dma_wait3A_47, %add3A_12, %dma_wait3A_48] : memref<4x4096x1024xf32, #tpu.memory_space<hbm>> -> memref<1x96x1024xf32, #tpu.memory_space<hbm>>
    %dma_wait3A_50 = tpu.memref_squeeze %dma_wait3A_49 : memref<1x96x1024xf32, #tpu.memory_space<hbm>> -> memref<96x1024xf32, #tpu.memory_space<hbm>>
    %dma_wait3A_51 = arith.constant 0 : i32
    %dma_wait3A_52 = tpu.memref_slice %arg3[%dma_wait3A_47, %add3A_12, %dma_wait3A_51] : memref<4x4096x1024xf32, #tpu.memory_space<hbm>> -> memref<1x96x1024xf32, #tpu.memory_space<hbm>>
    %dma_wait3A_53 = tpu.memref_squeeze %dma_wait3A_52 : memref<1x96x1024xf32, #tpu.memory_space<hbm>> -> memref<96x1024xf32, #tpu.memory_space<hbm>>
    tpu.wait_dma2 semaphore(%arg6 : memref<!tpu.dma_semaphore, #tpu.memory_space<semaphore_mem>>) src(%arg4 : memref<96x1024xf32, #tpu.memory_space<vmem>>) dst(%dma_wait3A_53 : memref<96x1024xf32, #tpu.memory_space<hbm>>)
    %dma_wait3A_54 = arith.constant 1 : i32
    %dma_wait3A_55 = arith.constant 0 : i32
    %dma_wait3A_56 = tpu.memref_slice %arg3[%dma_wait3A_54, %add3A_21, %dma_wait3A_55] : memref<4x4096x1024xf32, #tpu.memory_space<hbm>> -> memref<1x96x1024xf32, #tpu.memory_space<hbm>>
    %dma_wait3A_57 = tpu.memref_squeeze %dma_wait3A_56 : memref<1x96x1024xf32, #tpu.memory_space<hbm>> -> memref<96x1024xf32, #tpu.memory_space<hbm>>
    %dma_wait3A_58 = arith.constant 0 : i32
    %dma_wait3A_59 = tpu.memref_slice %arg3[%dma_wait3A_54, %add3A_21, %dma_wait3A_58] : memref<4x4096x1024xf32, #tpu.memory_space<hbm>> -> memref<1x96x1024xf32, #tpu.memory_space<hbm>>
    %dma_wait3A_60 = tpu.memref_squeeze %dma_wait3A_59 : memref<1x96x1024xf32, #tpu.memory_space<hbm>> -> memref<96x1024xf32, #tpu.memory_space<hbm>>
    tpu.wait_dma2 semaphore(%arg6 : memref<!tpu.dma_semaphore, #tpu.memory_space<semaphore_mem>>) src(%arg4 : memref<96x1024xf32, #tpu.memory_space<vmem>>) dst(%dma_wait3A_60 : memref<96x1024xf32, #tpu.memory_space<hbm>>)
    %dma_wait3A_61 = arith.constant 2 : i32
    %dma_wait3A_62 = arith.constant 0 : i32
    %dma_wait3A_63 = tpu.memref_slice %arg3[%dma_wait3A_61, %add3A_30, %dma_wait3A_62] : memref<4x4096x1024xf32, #tpu.memory_space<hbm>> -> memref<1x96x1024xf32, #tpu.memory_space<hbm>>
    %dma_wait3A_64 = tpu.memref_squeeze %dma_wait3A_63 : memref<1x96x1024xf32, #tpu.memory_space<hbm>> -> memref<96x1024xf32, #tpu.memory_space<hbm>>
    %dma_wait3A_65 = arith.constant 0 : i32
    %dma_wait3A_66 = tpu.memref_slice %arg3[%dma_wait3A_61, %add3A_30, %dma_wait3A_65] : memref<4x4096x1024xf32, #tpu.memory_space<hbm>> -> memref<1x96x1024xf32, #tpu.memory_space<hbm>>
    %dma_wait3A_67 = tpu.memref_squeeze %dma_wait3A_66 : memref<1x96x1024xf32, #tpu.memory_space<hbm>> -> memref<96x1024xf32, #tpu.memory_space<hbm>>
    tpu.wait_dma2 semaphore(%arg6 : memref<!tpu.dma_semaphore, #tpu.memory_space<semaphore_mem>>) src(%arg4 : memref<96x1024xf32, #tpu.memory_space<vmem>>) dst(%dma_wait3A_67 : memref<96x1024xf32, #tpu.memory_space<hbm>>)
    %dma_wait3A_68 = arith.constant 3 : i32
    %dma_wait3A_69 = arith.constant 0 : i32
    %dma_wait3A_70 = tpu.memref_slice %arg3[%dma_wait3A_68, %add3A_39, %dma_wait3A_69] : memref<4x4096x1024xf32, #tpu.memory_space<hbm>> -> memref<1x96x1024xf32, #tpu.memory_space<hbm>>
    %dma_wait3A_71 = tpu.memref_squeeze %dma_wait3A_70 : memref<1x96x1024xf32, #tpu.memory_space<hbm>> -> memref<96x1024xf32, #tpu.memory_space<hbm>>
    %dma_wait3A_72 = arith.constant 0 : i32
    %dma_wait3A_73 = tpu.memref_slice %arg3[%dma_wait3A_68, %add3A_39, %dma_wait3A_72] : memref<4x4096x1024xf32, #tpu.memory_space<hbm>> -> memref<1x96x1024xf32, #tpu.memory_space<hbm>>
    %dma_wait3A_74 = tpu.memref_squeeze %dma_wait3A_73 : memref<1x96x1024xf32, #tpu.memory_space<hbm>> -> memref<96x1024xf32, #tpu.memory_space<hbm>>
    tpu.wait_dma2 semaphore(%arg6 : memref<!tpu.dma_semaphore, #tpu.memory_space<semaphore_mem>>) src(%arg4 : memref<96x1024xf32, #tpu.memory_space<vmem>>) dst(%dma_wait3A_74 : memref<96x1024xf32, #tpu.memory_space<hbm>>)
    return
  }
}

</mosaic_0001>

<sc_bundles>
// kernel: kernel.3.cloned.1.call-start
scs
__scs_entry_jumppad:
0x0: {  	(pc) =	sbr.rel $0x88, $3  }
0x1: {  	(tag) =	ssettag $0x0;
	lr =	simm.s32 $0x1  }
0x2: {  	[smem:$0x3FA0] =	sst lr;
	_ =	strace $0xD0000000  }
0x3: {  	_ = 	snop  }
0x4: {  	_ = 	snop  }
0x5: {  	_ = 	snop  }
0x6: {  	_ = 	snop  }
0x7: {  	_ = 	snop  }
__scs_overlays_trampoline_lowered:
0x8: {  	[smem:$0x3FAF] =	sst s0  }
0x9: {  	[smem:$0x3FB0] =	sst s1  }
0xa: {  	[smem:$0x3FB1] =	sst s2  }
0xb: {  	[smem:$0x3FB2] =	sst s3  }
0xc: {  	[smem:$0x3FB3] =	sst s4  }
0xd: {  	[smem:$0x3FB4] =	sst s5  }
0xe: {  	[smem:$0x3FB5] =	sst s6  }
0xf: {  	[smem:$0x3FB6] =	sst s7  }
0x10: {  	[smem:$0x3FB7] =	sst s8  }
0x11: {  	[smem:$0x3FB8] =	sst s9;
	s0 =	simm.s32 @!p0 $0x0  }
0x12: {  	s1 =	sld [smem:$0x3F9E];
	s0 =	simm.s32 @p0 $0x1  }
0x13: {  	[smem:$0x3FB9] =	sst s0;
	s0 =	simm.s32 @!p1 $0x0  }
0x14: {  	s2 =	sld [smem:$0x3F9D];
	s0 =	simm.s32 @p1 $0x1  }
0x15: {  	[smem:$0x3FBA] =	sst s0;
	s0 =	simm.s32 @!p2 $0x0  }
0x16: {  	s3 =	sld [smem:$0x3FDB];
	s0 =	simm.s32 @p2 $0x1  }
0x17: {  	s4 =	simm.s32 $0x1BF5;
	[smem:$0x3FBC] =	sst s0  }
0x18: {  	s0 =	sld [smem:$0x3F9F];
	_ =	swait.ge [sflag:s4], $0x0  }
0x19: {  	s7 =	sld [smem:$0x3FA0]  }
0x1a: {  	s8 =	sadd.s32 $0xFFFFE003, lr  }
0x1b: {  	s9 =	sadd.s32 $0xFFFFFEF7, lr;
	s5 =	simm.s32 $0xFFFFFFFF;
	p2 =	slt.u32 s8, $0xFFFFF086  }
0x1c: {  	p1 =	slt.u32 s9, $0xF7A;
	s5 =	simm.s32 @!p2 $0x0  }
0x1d: {  	s5 =	simm.s32 @p1 $0x1;
	p0 =	seq.s32 s7, s2  }
0x1e: {  	s7 =	smul.u32 @!p0 $0xF7A, s2;
	p2 =	seq.s32 @!p0 s5, $0x0  }
0x1f: {  	s9 =	smul.u32 $0xF7A, s1;
	s8 =	simm.s32 @!p0 $0x1BF5;
	p2 =	por !p2, p0  }
0x20: {  	[sflag:s8] =	ssyncset.s32 @!p0 $0xFFFFF086;
	s6 =	sadd.s32 @!p0 s3, s7;
	s7 =	simm.s32 @!p0 $0x108  }
0x21: {  	s3 =	sadd.s32 s3, s9;
	s6 =	sadd.s32 @!p0 $0x88, s6;
	s7 =	simm.s32 @p2 $0x1082  }
0x22: {  	[simem:s7], [sflag:s8] =	dma.local @!p0 [hbm:s6], $0xF7A  }
0x23: {  	s9 =	sor.u32 $0xD0000000, s2;
	s6 =	simm.s32 $0x108;
	_ =	swait.ge @!p0 [sflag:s8], $0x0  }
0x24: {  	s3 =	sadd.s32 $0x88, s3;
	s6 =	simm.s32 @!p1 $0x1082;
	[sflag:s4] =	ssyncset.s32 $0xFFFFF086  }
0x25: {  	[simem:s6], [sflag:s4] =	dma.local [hbm:s3], $0xF7A  }
0x26: {  	[smem:$0x3FA0] =	sst s1;
	(tag) =	ssettag s2;
	_ =	strace s9  }
0x27: {  	s1 =	sld [smem:$0x3FB0]  }
0x28: {  	s2 =	sld [smem:$0x3FB1]  }
0x29: {  	s4 =	sld [smem:$0x3FB3]  }
0x2a: {  	p0 =	seq.s32 s5, $0x0;
	s5 =	sld [smem:$0x3FB4]  }
0x2b: {  	s6 =	sld [smem:$0x3FB5]  }
0x2c: {  	s7 =	sld [smem:$0x3FB6]  }
0x2d: {  	s3 =	simm.s32 $0x108;
	s8 =	sld [smem:$0x3FB7]  }
0x2e: {  	s3 =	simm.s32 @!p0 $0x1082;
	s9 =	sld [smem:$0x3FB8]  }
0x2f: {  	lr =	sadd.s32 s0, s3;
	s0 =	sld [smem:$0x3FAF]  }
0x30: {  	s3 =	sld [smem:$0x3FB2]  }
0x31: {  	[smem:$0x3FBB] =	sst s10  }
0x32: {  	s10 =	sld [smem:$0x3FB9];
	_ =	sdelay $0x3  }
0x33: {  	p0 =	seq.s32 s10, $0x1;
	s10 =	sld [smem:$0x3FBB];
	_ =	sdelay $0x3  }
0x34: {  	[smem:$0x3FBB] =	sst s10  }
0x35: {  	s10 =	sld [smem:$0x3FBA];
	_ =	sdelay $0x3  }
0x36: {  	p1 =	seq.s32 s10, $0x1;
	s10 =	sld [smem:$0x3FBB];
	_ =	sdelay $0x3  }
0x37: {  	[smem:$0x3FBB] =	sst s10  }
0x38: {  	s10 =	sld [smem:$0x3FBC]  }
0x39: {  	_ = 	snop;
	(pc) =	sbr.ind lr, $3  }
0x3a: {  	_ = 	snop  }
0x3b: {  	_ = 	snop  }
0x3c: {  	p2 =	seq.s32 s10, $0x1;
	s10 =	sld [smem:$0x3FBB]  }
0x3d: {  	_ =	shalt  }
0x3e: {  	_ =	shalt  }
0x3f: {  	_ =	shalt  }
0x40: {  	_ =	shalt  }
0x41: {  	_ =	shalt  }
0x42: {  	_ =	shalt  }
0x43: {  	_ =	shalt  }
0x44: {  	_ =	shalt  }
0x45: {  	_ =	shalt  }
0x46: {  	_ =	shalt  }
0x47: {  	_ =	shalt  }
0x48: {  	_ =	shalt  }
0x49: {  	_ =	shalt  }
0x4a: {  	_ =	shalt  }
0x4b: {  	_ =	shalt  }
0x4c: {  	_ =	shalt  }
0x4d: {  	_ =	shalt  }
0x4e: {  	_ =	shalt  }
0x4f: {  	_ =	shalt  }
0x50: {  	_ =	shalt  }
0x51: {  	_ =	shalt  }
0x52: {  	_ =	shalt  }
0x53: {  	_ =	shalt  }
0x54: {  	_ =	shalt  }
0x55: {  	_ =	shalt  }
0x56: {  	_ =	shalt  }
0x57: {  	_ =	shalt  }
0x58: {  	_ =	shalt  }
0x59: {  	_ =	shalt  }
0x5a: {  	_ =	shalt  }
0x5b: {  	_ =	shalt  }
0x5c: {  	_ =	shalt  }
0x5d: {  	_ =	shalt  }
0x5e: {  	_ =	shalt  }
0x5f: {  	_ =	shalt  }
0x60: {  	_ =	shalt  }
0x61: {  	_ =	shalt  }
0x62: {  	_ =	shalt  }
0x63: {  	_ =	shalt  }
0x64: {  	_ =	shalt  }
0x65: {  	_ =	shalt  }
0x66: {  	_ =	shalt  }
0x67: {  	_ =	shalt  }
0x68: {  	_ =	shalt  }
0x69: {  	_ =	shalt  }
0x6a: {  	_ =	shalt  }
0x6b: {  	_ =	shalt  }
0x6c: {  	_ =	shalt  }
0x6d: {  	_ =	shalt  }
0x6e: {  	_ =	shalt  }
0x6f: {  	_ =	shalt  }
0x70: {  	_ =	shalt  }
0x71: {  	_ =	shalt  }
0x72: {  	_ =	shalt  }
0x73: {  	_ =	shalt  }
0x74: {  	_ =	shalt  }
0x75: {  	_ =	shalt  }
0x76: {  	_ =	shalt  }
0x77: {  	_ =	shalt  }
0x78: {  	_ =	shalt  }
0x79: {  	_ =	shalt  }
0x7a: {  	_ =	shalt  }
0x7b: {  	_ =	shalt  }
0x7c: {  	_ =	shalt  }
0x7d: {  	_ =	shalt  }
0x7e: {  	_ =	shalt  }
0x7f: {  	_ =	shalt  }
0x80: {  	_ =	shalt  }
0x81: {  	_ =	shalt  }
0x82: {  	_ =	shalt  }
0x83: {  	_ =	shalt  }
0x84: {  	_ =	shalt  }
0x85: {  	_ =	shalt  }
0x86: {  	_ =	shalt  }
0x87: {  	_ =	shalt  }
.Lfunc_end0:
.L_simem_size_0:
called_computation_lowered:
.L_overlay_start_0:
0x88: {  	s1 =	sld [smem:$0x3FD9]  }
0x89: {  	s3 =	sld [smem:$0x3FFE];
	_ =	sdelay $0x1  }
0x8a: {  	s2 =	srdreg.scid  }
0x8b: {  	s0 =	sand.u32 $0x1, s2  }
0x8c: {  	s11 =	sshll.u32 s0, $0xA;
	s1 =	sadd.s32 s3, s1  }
0x8d: {  	s1 =	sadd.s32 s1, s11  }
0x8e: {  	s13 =	simm.s32 $0x0;
	[smem:$0x3FC7] =	sst s1  }
0x8f: {  	[smem:$0xF] =	sst s13  }
0x90: {  	s12 =	sld [smem:$0x3FC9]  }
0x91: {  	s4 =	sld [smem:$0x3FD0];
	(tm) =	ssettm $0x1  }
0x92: {  	s5 =	sld [smem:$0x3FFB];
	_ =	sdelay $0x3  }
0x93: {  	_ =	strace s5  }
0x94: {  	s5 =	sld [smem:$0x3FFC];
	_ =	sdelay $0x3  }
0x95: {  	_ =	strace s5  }
0x96: {  	s5 =	sld [smem:$0x3FFD];
	_ =	sdelay $0x3  }
0x97: {  	_ =	strace s5  }
0x98: {  	_ =	strace $0x8FFFFFFF  }
0x99: {  	s14 =	sld [smem:$0x3FDB];
	_ =	sdelay $0x2  }
0x9a: {  	s6 =	simm.s32 $_scs_section_size;
	s7 =	simm.s32 $_tile_overlayer_lowered  }
0x9b: {  	s15 =	simm.s32 $_size__tile_overlayer_lowered;
	s7 =	sshll.u32 s7, $0x1;
	s5 =	sadd.s32 s6, s14  }
0x9c: {  	s8 =	simm.s32 $0x1BFF;
	s6 =	sshll.u32 s15, $0x1;
	s7 =	sadd.s32 s7, s5  }
0x9d: {  	[timem:s13], [sflag:s8] =	dma.local [hbm:s7], s6  }
0x9e: {  	_ =	swait.ge [sflag:s8], s6  }
0x9f: {  	s6 =	ssub.s32 $0x0, s6;
	[sflag:s8] =	ssyncset.done $0x0  }
0xa0: {  	[sflag:s8] =	ssyncadd.s32 s6;
	_ =	sdelay $0x1  }
0xa1: {  	s16 =	simm.s32 $0x1B8B  }
0xa2: {  	_ =	swait.ge [sflag:s16], $0x1  }
0xa3: {  	[sflag:s16] =	ssyncset.done $0x0  }
0xa4: {  	s17 =	simm.s32 $0x1B8E;
	[sflag:s16] =	ssyncadd.s32 $0xFFFFFFFF  }
0xa5: {  	s18 =	simm.s32 $execute0_lowered;
	[smem:$0x3FD2] =	sst s17  }
0xa6: {  	s6 =	sshll.u32 s18, $0x1;
	_ =	strace $0x80000046;
	[dreg:$0x1] =	wrdreg $0xFFFFFFFF  }
0xa7: {  	s19 =	simm.s32 $_size_execute0_lowered;
	s5 =	sadd.s32 s5, s6;
	[dreg:$0x0] =	wrdreg $0x0  }
0xa8: {  	s6 =	sshll.u32 s19, $0x1;
	[dreg:$0x2] =	wrdreg s5  }
0xa9: {  	[dreg:$0x3] =	wrdreg s6  }
0xaa: {  	[dreg:$0x4] =	wrdreg $0xC0  }
0xab: {  	_ =	task [dreg:s13], $0x5FFFF  }
0xac: {  	[dreg:$0x1] =	wrdreg $0xFFFFFFFF  }
0xad: {  	[dreg:$0x0] =	wrdreg $0x60  }
0xae: {  	[dreg:$0x2] =	wrdreg s12  }
0xaf: {  	s20 =	sshll.u32 s0, $0x10;
	[dreg:$0x3] =	wrdreg s4  }
0xb0: {  	s22 =	simm.s32 $0xA;
	s21 =	sor.u32 $0x60000, s20;
	[dreg:$0x4] =	wrdreg $0x9  }
0xb1: {  	s23 =	simm.s32 $0x30000;
	s3 =	sadd.s32 s21, s12;
	_ =	task.clear_ibuf [dreg:s13], $0x5FFFF  }
0xb2: {  	[spmem:s23], [sflag:s22] =	dma.local [hbm:s3], $0x10000  }
0xb3: {  	s25 =	simm.s32 $0xB;
	s26 =	sadd.s32 s20, s4;
	_ =	swait.ge [sflag:s22], $0x10000  }
0xb4: {  	s24 =	sadd.s32 s21, s4;
	s28 =	sadd.s32 $0x160000, s26;
	[sflag:s22] =	ssyncset.done $0x0  }
0xb5: {  	s4 =	sadd.s32 $0xE0000, s26;
	s3 =	sadd.s32 $0x1E0000, s26;
	[sflag:s22] =	ssyncadd.s32 $0xFFFF0000  }
0xb6: {  	[hbm:s24], [sflag:s25] =	dma.local [spmem:s23], $0x10000  }
0xb7: {  	[hbm:s4], [sflag:s25] =	dma.local [spmem:s23], $0x10000  }
0xb8: {  	[hbm:s28], [sflag:s25] =	dma.local [spmem:s23], $0x10000  }
0xb9: {  	[hbm:s3], [sflag:s25] =	dma.local [spmem:s23], $0x10000  }
0xba: {  	_ =	swait.ge [sflag:s25], $0x10000  }
0xbb: {  	[sflag:s25] =	ssyncset.done $0x0  }
0xbc: {  	[sflag:s25] =	ssyncadd.s32 $0xFFFF0000;
	_ =	sdelay $0x2  }
0xbd: {  	_ =	swait.ge [sflag:s25], $0x10000  }
0xbe: {  	[sflag:s25] =	ssyncset.done $0x0  }
0xbf: {  	[sflag:s25] =	ssyncadd.s32 $0xFFFF0000;
	_ =	sdelay $0x2  }
0xc0: {  	_ =	swait.ge [sflag:s25], $0x10000  }
0xc1: {  	[sflag:s25] =	ssyncset.done $0x0  }
0xc2: {  	[sflag:s25] =	ssyncadd.s32 $0xFFFF0000;
	_ =	sdelay $0x2  }
0xc3: {  	_ =	swait.ge [sflag:s25], $0x10000  }
0xc4: {  	[sflag:s25] =	ssyncset.done $0x0  }
0xc5: {  	[sflag:s25] =	ssyncadd.s32 $0xFFFF0000  }
0xc6: {  	_ =	strace $0x90000046  }
0xc7: {  	s29 =	simm.s32 $0x9;
	_ =	strace $0x80000048  }
0xc8: {  	_ =	swait.ge [sflag:s29], $0x1  }
0xc9: {  	[sflag:s29] =	ssyncadd.s32 $0xFFFFFFFF  }
0xca: {  	_ =	strace $0x90000048  }
0xcb: {  	_ =	sfence  }
0xcc: {  	s30 =	sld [smem:$0x0];
	_ =	sdelay $0x2  }
0xcd: {  	s31 =	sshll.u32 s2, $0xD;
	s2 =	sshrl.u32 s2, $0x2  }
0xce: {  	s4 =	sand.u32 $0x4000, s31;
	s2 =	sadd.s32 s2, s30  }
0xcf: {  	s0 =	sor.u32 s4, s0;
	s2 =	sshll.u32 s2, $0x11  }
0xd0: {  	s0 =	sor.u32 s2, s0  }
0xd1: {  	s0 =	sadd.s32 $0x8F2B, s0  }
0xd2: {  	[sflag:s0] =	ssyncadd.remote.s32 $0x1  }
0xd3: {  	_ =	sfence.sel $0xFFFF  }
0xd4: {  	[dreg:$0x0] =	wrdreg $0xFFFFFFFF;
	(pc) =	sbr.abs _section_cstart, $3  }
0xd5: {  	[dreg:$0x1] =	wrdreg $0xFFFFFFFF  }
0xd6: {  	_ =	task.clear_ibuf [dreg:s13], $0x2FFFF;
	_ =	strace $0x9FFFFFFF  }
0xd7: {  	(tm) =	ssettm $0x7FFFFFFF  }
tec
execute0_lowered:
.L_overlay_start_1:
0x0: {  	(tag) =	ssettag $0x1  }
0x1: {  	s1 =	srdreg.scid;
	s0 =	stileid.u32  }
0x2: {  	s3 =	rddreg [dreg:$0x0];
	s10 =	sand.u32 $0x1, s1;
	s31 =	sshll.u32 s0, $0x1  }
0x3: {  	s5 =	rddreg [dreg:$0x1];
	s4 =	sor.u32 s10, s31  }
0x4: {  	s2 =	simm.s32 $0x0;
	s1 =	rddreg [dreg:$0x2];
	s6 =	smul.u32 $0x3000, s4  }
0x5: {  	[smem:$0x7FF] =	sst s2  }
0x6: {  	_ =	strace $0x80000047;
	s4 =	simm.s32 $0x1;
	s3 =	sadd.s32 s3, s6  }
0x7: {  	[tilespmem:s2], [sflag:$0x1] =	stream.linear.gather [hbm4b:s3+s2], $0x18000, $0x38;
	v63 =	vld [tilespmem:$0x0]  }
0x8: {  	_ =	swait.ge [sflag:s4], $0x18000  }
0x9: {  	[sflag:s4] =	ssyncset.done $0x0  }
0xa: {  	s5 =	sadd.s32 s5, s6;
	[sflag:s4] =	ssyncadd.s32 $0xFFFE8000  }
0xb: {  	[hbm4b:s5+s2] =	stream.linear.scatter [tilespmem:s2], [sflag:$0x2], $0x18000, $0x38;
	v63 =	vld [tilespmem:$0x0]  }
0xc: {  	s6 =	sadd.s32 $0x80000, s5  }
0xd: {  	[hbm4b:s6+s2] =	stream.linear.scatter [tilespmem:s2], [sflag:$0x2], $0x18000, $0x38;
	v63 =	vld [tilespmem:$0x0]  }
0xe: {  	s7 =	sadd.s32 $0x100000, s5  }
0xf: {  	[hbm4b:s7+s2] =	stream.linear.scatter [tilespmem:s2], [sflag:$0x2], $0x18000, $0x38;
	v63 =	vld [tilespmem:$0x0]  }
0x10: {  	s8 =	simm.s32 $0x2;
	s9 =	sadd.s32 $0x180000, s5  }
0x11: {  	[hbm4b:s9+s2] =	stream.linear.scatter [tilespmem:s2], [sflag:$0x2], $0x18000, $0x38;
	v63 =	vld [tilespmem:$0x0]  }
0x12: {  	_ =	swait.ge [sflag:s8], $0x18000  }
0x13: {  	s10 =	ssub.s32 $0x2, s10;
	[sflag:s8] =	ssyncset.done $0x0  }
0x14: {  	s11 =	sshrl.u32 s10, $0x1;
	[sflag:s8] =	ssyncadd.s32 $0xFFFE8000  }
0x15: {  	s10 =	ssub.s32 s10, s11;
	_ =	swait.ge [sflag:s8], $0x18000  }
0x16: {  	s10 =	smax.u32 s10, $0x1;
	[sflag:s8] =	ssyncset.done $0x0  }
0x17: {  	p0 =	sne.s32 s10, $0x1;
	[sflag:s8] =	ssyncadd.s32 $0xFFFE8000  }
.Ltmp0:
0x18: {  	_ =	swait.ge [sflag:s8], $0x18000;
	(pc) =	sbr.rel @!p0 .LBB2_2-.Ltmp0, $4  }
0x19: {  	[sflag:s8] =	ssyncset.done $0x0  }
0x1a: {  	[sflag:s8] =	ssyncadd.s32 $0xFFFE8000  }
0x1b: {  	_ =	swait.ge [sflag:s8], $0x18000  }
0x1c: {  	s10 =	sadd.s32 $0xFFFFFFFF, s10;
	[sflag:s8] =	ssyncset.done $0x0  }
.LBB2_1:
0x1d: {  	p0 =	sne.s32 s10, $0x1;
	s10 =	sadd.s32 $0xFFFFFFFF, s10;
	[sflag:s8] =	ssyncadd.s32 $0xFFFE8000  }
0x1e: {  	[tilespmem:s2], [sflag:$0x1] =	stream.linear.gather [hbm4b:s3+s2], $0x18000, $0x38;
	v63 =	vld [tilespmem:$0x0]  }
0x1f: {  	_ =	swait.ge [sflag:s4], $0x18000  }
0x20: {  	[sflag:s4] =	ssyncset.done $0x0  }
0x21: {  	[sflag:s4] =	ssyncadd.s32 $0xFFFE8000  }
0x22: {  	[hbm4b:s5+s2] =	stream.linear.scatter [tilespmem:s2], [sflag:$0x2], $0x18000, $0x38;
	v63 =	vld [tilespmem:$0x0]  }
0x23: {  	_ = 	snop  }
0x24: {  	[hbm4b:s6+s2] =	stream.linear.scatter [tilespmem:s2], [sflag:$0x2], $0x18000, $0x38;
	v63 =	vld [tilespmem:$0x0]  }
0x25: {  	_ = 	snop  }
0x26: {  	[hbm4b:s7+s2] =	stream.linear.scatter [tilespmem:s2], [sflag:$0x2], $0x18000, $0x38;
	v63 =	vld [tilespmem:$0x0]  }
0x27: {  	_ = 	snop  }
0x28: {  	[hbm4b:s9+s2] =	stream.linear.scatter [tilespmem:s2], [sflag:$0x2], $0x18000, $0x38;
	v63 =	vld [tilespmem:$0x0]  }
0x29: {  	_ =	swait.ge [sflag:s8], $0x18000  }
0x2a: {  	[sflag:s8] =	ssyncset.done $0x0  }
0x2b: {  	[sflag:s8] =	ssyncadd.s32 $0xFFFE8000  }
0x2c: {  	_ =	swait.ge [sflag:s8], $0x18000  }
0x2d: {  	[sflag:s8] =	ssyncset.done $0x0  }
0x2e: {  	[sflag:s8] =	ssyncadd.s32 $0xFFFE8000  }
.Ltmp1:
0x2f: {  	_ =	swait.ge [sflag:s8], $0x18000;
	(pc) =	sbr.rel @p0 .LBB2_1-.Ltmp1, $4  }
0x30: {  	[sflag:s8] =	ssyncset.done $0x0  }
0x31: {  	[sflag:s8] =	ssyncadd.s32 $0xFFFE8000  }
0x32: {  	_ =	swait.ge [sflag:s8], $0x18000  }
0x33: {  	[sflag:s8] =	ssyncset.done $0x0  }
.LBB2_2:
0x34: {  	[sflag:s8] =	ssyncadd.s32 $0xFFFE8000  }
0x35: {  	_ =	sfence.sel $0x180000  }
0x36: {  	[bflag:$0x0] =	sbarrier.arrive $0xFFFF  }
0x37: {  	p0 =	sne.s32 s0, $0x0;
	_ =	strace $0x90000047  }
0x38: {  	s0 =	sadd.s32 @!p0 $0x100000, s1;
	[bflag:$0x2] =	sbarrier.arrive $0xFFFF  }
0x39: {  	[sflag:s0] =	ssyncadd.tile.s32 @!p0 $0x1;
	_ =	shalt  }
.Lfunc_end2:
_tile_overlayer_lowered:
.L_overlay_start_2:
0x3a: {  	(tag) =	ssettag $0x2  }
0x3b: {  	s0 =	rddreg [dreg:$0x0];
	s2 =	stileid.u32  }
0x3c: {  	s1 =	rddreg [dreg:$0x1];
	p0 =	sne.s32 s2, $0x0  }
0x3d: {  	s3 =	rddreg [dreg:$0x2];
	[bflag:$0x3] =	sbarrier.arrive $0xFFFF;
	s2 =	simm.s32 @!p0 $0x1C03  }
0x3e: {  	[timem:s3], [sflag:s2] =	dma.local @!p0 [hbm:s0], s1  }
0x3f: {  	s0 =	simm.s32 @!p0 $0x3  }
0x40: {  	_ =	swait.ge @!p0 [sflag:s0], s1  }
0x41: {  	s1 =	ssub.s32 @!p0 $0x0, s1;
	[sflag:s0] =	ssyncset.done @!p0 $0x0  }
0x42: {  	[sflag:s0] =	ssyncadd.s32 @!p0 s1  }
0x43: {  	[bflag:$0x3] =	sbarrier.arrive $0xFFFF  }
0x44: {  	_ =	shalt  }

</sc_bundles>
